<compile_context>
chip_gen: v7x
topology: tpu7x:2x2x1
jax: 0.10.2.dev20260603
libtpu: 0.0.44.dev20260713+nightly
codegen_flags: <defaults>
</compile_context>

<pallas_src>
import functools

import jax
import jax.numpy as jnp
from jax import lax
from jax.experimental import pallas as pl
from jax.experimental.pallas import tpu as pltpu
from jax.experimental.pallas import tpu_sc as plsc

N = 16384
D = 128
NSUBJ = 64
PD = 16
_PACK = 128 // PD
NG = N // _PACK
_BT = 2048
_PB = _BT // _PACK

_NC = 2
_NS = 16
_NW = _NC * _NS
_BPW = N // _NW
_L = 16

_sc_mesh = plsc.VectorSubcoreMesh(core_axis_name="c", subcore_axis_name="s")


@functools.partial(
    pl.kernel,
    out_type=jax.ShapeDtypeStruct((NG, 128), jnp.float32),
    mesh=_sc_mesh,
    scratch_types=[
        pltpu.VMEM((NSUBJ, 128), jnp.float32),
        pltpu.VMEM((_BPW,), jnp.int32),
        pltpu.VMEM((256, 32), jnp.float32),
    ],
    compiler_params=pltpu.CompilerParams(
        use_tc_tiling_on_sc=False, needs_layout_passes=False
    ),
)
def _sc_gather(tab_hbm, sid_hbm, out_hbm, tab_v, idx_v, out_v):
    wid = lax.axis_index("s") * _NC + lax.axis_index("c")
    iblk = wid // 4
    q = wid % 4
    pltpu.sync_copy(tab_hbm, tab_v)
    pltpu.sync_copy(sid_hbm.at[pl.ds(wid * _BPW, _BPW)], idx_v)
    lanes = lax.iota(jnp.int32, _L)

    def body(g, carry):
        sidv = idx_v[pl.ds(g * _L, _L)]
        rows = lanes + (g % 16) * _L
        cbase = (g // 16) * _L
        for j in range(6):
            colj = jnp.full((_L,), j, jnp.int32) + cbase
            vals = plsc.load_gather(tab_v, [sidv, jnp.full((_L,), j, jnp.int32)])
            plsc.store_scatter(out_v, [rows, colj], vals)
        return carry

    lax.fori_loop(0, _BPW // _L, body, 0)
    pltpu.sync_copy(out_v, out_hbm.at[pl.ds(iblk * 256, 256), pl.ds(q * 32, 32)])


def _selectors():
    r2 = lax.broadcasted_iota(jnp.int32, (2, PD), 0)
    c2 = lax.broadcasted_iota(jnp.int32, (2, PD), 1)
    s_sel = (c2 // 2 == r2).astype(jnp.float32)
    c1 = lax.broadcasted_iota(jnp.int32, (1, PD), 1)
    c_sel = (c1 // 2 == 2).astype(jnp.float32)
    return s_sel, c_sel


def _tc_expand(x_ref, w_ref, b_ref, y_ref):
    s_sel, c_sel = _selectors()
    w2 = jnp.dot(w_ref[...], s_sel, preferred_element_type=jnp.float32)
    w2b = w2.astype(jnp.bfloat16)
    cvec = jnp.dot(b_ref[...], s_sel, preferred_element_type=jnp.float32) + c_sel
    xb = x_ref[...].astype(jnp.bfloat16)
    halves = []
    for h in range(2):
        pieces = []
        for p in range(_PACK):
            o = _BT * h + _PB * p
            z = jnp.dot(xb[o : o + _PB, :], w2b, preferred_element_type=jnp.float32)
            pieces.append(z + cvec)
        halves.append(jnp.concatenate(pieces, axis=1))
    y_ref[...] = jnp.concatenate(halves, axis=0)


def _tc_combine(y_ref, g_ref, o_ref):
    rj = lax.broadcasted_iota(jnp.int32, (128, PD), 0)
    ck = lax.broadcasted_iota(jnp.int32, (128, PD), 1)
    rbig = ((rj // PD == ck // 2) & (rj % PD < 6) & (rj % 2 == ck % 2)).astype(
        jnp.float32
    )
    t = y_ref[...] * g_ref[...]
    o_ref[...] = jnp.dot(t, rbig, preferred_element_type=jnp.float32)


def kernel(x, subjectID, W_net, b_net, W_cal, b_cal):
    tab = jnp.concatenate(
        [W_cal.reshape(NSUBJ, 4), b_cal, jnp.zeros((NSUBJ, 122), jnp.float32)],
        axis=1,
    )
    g = _sc_gather(tab, subjectID.astype(jnp.int32))
    ybig = pl.pallas_call(
        _tc_expand,
        grid=(N // (2 * _BT),),
        in_specs=[
            pl.BlockSpec((2 * _BT, D), lambda i: (i, 0)),
            pl.BlockSpec((D, 2), lambda i: (0, 0)),
            pl.BlockSpec((1, 2), lambda i: (0, 0)),
        ],
        out_specs=pl.BlockSpec((2 * _PB, 128), lambda i: (i, 0)),
        out_shape=jax.ShapeDtypeStruct((NG, 128), jnp.float32),
    )(x, W_net, b_net.reshape(1, 2))
    op = pl.pallas_call(
        _tc_combine,
        grid=(2,),
        in_specs=[
            pl.BlockSpec((NG // 2, 128), lambda i: (i, 0)),
            pl.BlockSpec((NG // 2, 128), lambda i: (i, 0)),
        ],
        out_specs=pl.BlockSpec((NG // 2, PD), lambda i: (i, 0)),
        out_shape=jax.ShapeDtypeStruct((NG, PD), jnp.float32),
    )(ybig, g)
    out = op.reshape(8, _PB, _PACK, 2).transpose(0, 2, 1, 3).reshape(N, 2)
    return out

# --- scband reference (transcript-rebuilt; emitter-appended) ---
"""Pipeline reference for scband-calib-net-71519795413865 (READ-ONLY COPY).

The authoritative reference and input builder live on the scoring server;
editing this copy changes nothing except your own understanding.
"""

import jax, jax.numpy as jnp
import numpy as np

N = 16384
D = 128
NUM_SUBJECTS = 64
OUT_DIM = 2


def setup_inputs(seed: int = 0) -> dict:
    key = jax.random.key(seed)
    k1, k2, k3, k4, k5, k6 = jax.random.split(key, 6)
    x = jax.random.normal(k1, (N, D), dtype=jnp.float32)
    subjectID = jax.random.randint(k2, (N,), 0, NUM_SUBJECTS)
    # net: nn.Linear(128, 2)
    W_net = jax.random.normal(k3, (D, OUT_DIM), dtype=jnp.float32) * 0.02
    b_net = jnp.zeros((OUT_DIM,), dtype=jnp.float32)
    # calib: per-subject affine calibration out = y @ W_cal[s] + b_cal[s]
    eye = jnp.eye(OUT_DIM, dtype=jnp.float32)
    W_cal = eye[None, :, :] + jax.random.normal(k4, (NUM_SUBJECTS, OUT_DIM, OUT_DIM), dtype=jnp.float32) * 0.05
    b_cal = jax.random.normal(k5, (NUM_SUBJECTS, OUT_DIM), dtype=jnp.float32) * 0.01
    return {"x": x, "subjectID": subjectID, "W_net": W_net, "b_net": b_net, "W_cal": W_cal, "b_cal": b_cal}


def reference(x, subjectID, W_net, b_net, W_cal, b_cal):
    # net forward: x -> [N, 2]
    y = jnp.dot(x, W_net) + b_net
    # Original loop: for each unique subject, mask = nonzero(subjectID == s),
    # subset = index_select(y, 0, mask), outset = calib(subset, s), output[mask] = outset.
    # Since calib is a per-row subject-conditioned affine map, the loop of
    # gather -> per-subject transform -> scatter-overwrite is mathematically
    # identical to gathering each row's subject params and applying them rowwise.
    Wg = jnp.take(W_cal, subjectID, axis=0)   # [N, 2, 2] gather (SparseCore)
    bg = jnp.take(b_cal, subjectID, axis=0)   # [N, 2]
    output = jnp.einsum('nd,ndk->nk', y, Wg) + bg
    return output

if __name__ == "__main__":
    import jax
    _d = setup_inputs()
    print(jax.jit(kernel)(*tuple(_d.values())))

</pallas_src>

<mosaic_0001>
#map = affine_map<(d0, d1) -> (0, 0)>
#map1 = affine_map<(d0, d1) -> (0)>
module attributes {stable_mosaic.version = 14 : i64} {
  func.func @_sc_gather(%arg0: i32, %arg1: i32, %arg2: memref<64x128xf32, #tpu.memory_space<hbm>>, %arg3: memref<16384xi32, #tpu.memory_space<hbm>>, %arg4: memref<2048x128xf32, #tpu.memory_space<hbm>>, %arg5: memref<64x128xf32, #tpu.memory_space<vmem>>, %arg6: memref<512xi32, #tpu.memory_space<vmem>>, %arg7: memref<256x32xf32, #tpu.memory_space<vmem>>) attributes {dimension_semantics = [#tpu.dimension_semantics<core_parallel>, #tpu.dimension_semantics<subcore_parallel>], iteration_bounds = array<i64: 2, 16>, scalar_prefetch = 0 : i64, scratch_operands = 3 : i64, tpu.core_type = #tpu.core_type<sc_vector_subcore>, window_params = [{transform_indices = #map}, {transform_indices = #map1}, {transform_indices = #map}]} {
    %mul3A = arith.constant 2 : i32
    %mul3A_0 = arith.muli %arg1, %mul3A : i32
    %add3A = arith.addi %mul3A_0, %arg0 : i32
    %jit3A = arith.constant 4 : i32
    %div3A = arith.divsi %add3A, %jit3A : i32
    %sign3A = arith.constant 0 : i32
    %sign3A_1 = arith.cmpi sgt, %add3A, %sign3A : i32
    %sign3A_2 = arith.extui %sign3A_1 : i1 to i32
    %sign3A_3 = arith.constant 0 : i32
    %sign3A_4 = arith.cmpi slt, %add3A, %sign3A_3 : i32
    %sign3A_5 = arith.extui %sign3A_4 : i1 to i32
    %sign3A_6 = arith.subi %sign3A_2, %sign3A_5 : i32
    %sign3A_7 = arith.constant 0 : i32
    %sign3A_8 = arith.cmpi sgt, %jit3A, %sign3A_7 : i32
    %sign3A_9 = arith.extui %sign3A_8 : i1 to i32
    %sign3A_10 = arith.constant 0 : i32
    %sign3A_11 = arith.cmpi slt, %jit3A, %sign3A_10 : i32
    %sign3A_12 = arith.extui %sign3A_11 : i1 to i32
    %sign3A_13 = arith.subi %sign3A_9, %sign3A_12 : i32
    %ne3A = arith.cmpi ne, %sign3A_6, %sign3A_13 : i32
    %rem3A = arith.remsi %add3A, %jit3A : i32
    %ne3A_14 = arith.constant 0 : i32
    %ne3A_15 = arith.cmpi ne, %rem3A, %ne3A_14 : i32
    %and3A = arith.andi %ne3A, %ne3A_15 : i1
    %sub3A = arith.constant 1 : i32
    %sub3A_16 = arith.subi %div3A, %sub3A : i32
    %select_n3A = arith.select %and3A, %sub3A_16, %div3A : i32
    %jit3A_17 = arith.constant 4 : i32
    %eq3A = arith.constant 0 : i32
    %eq3A_18 = arith.cmpi eq, %jit3A_17, %eq3A : i32
    %jit3A_19 = arith.constant 1 : i32
    %select_n3A_20 = arith.select %eq3A_18, %jit3A_19, %jit3A_17 : i32
    %rem3A_21 = arith.remsi %add3A, %select_n3A_20 : i32
    %ne3A_22 = arith.constant 0 : i32
    %ne3A_23 = arith.cmpi ne, %rem3A_21, %ne3A_22 : i32
    %lt3A = arith.constant 0 : i32
    %lt3A_24 = arith.cmpi slt, %rem3A_21, %lt3A : i32
    %lt3A_25 = arith.constant 0 : i32
    %lt3A_26 = arith.cmpi slt, %select_n3A_20, %lt3A_25 : i32
    %ne3A_27 = arith.xori %lt3A_24, %lt3A_26 : i1
    %and3A_28 = arith.andi %ne3A_27, %ne3A_23 : i1
    %add3A_29 = arith.addi %rem3A_21, %select_n3A_20 : i32
    %select_n3A_30 = arith.select %and3A_28, %add3A_29, %rem3A_21 : i32
    "tpu.region"() ({
      %run_scoped3A = tpu.sem_alloc : memref<!tpu.dma_semaphore, #tpu.memory_space<semaphore_mem>>
      tpu.enqueue_dma source(%arg2 : memref<64x128xf32, #tpu.memory_space<hbm>>) target(%arg5 : memref<64x128xf32, #tpu.memory_space<vmem>>) target_semaphore(%run_scoped3A : memref<!tpu.dma_semaphore, #tpu.memory_space<semaphore_mem>>)
      tpu.wait_dma2 semaphore(%run_scoped3A : memref<!tpu.dma_semaphore, #tpu.memory_space<semaphore_mem>>) src(%arg2 : memref<64x128xf32, #tpu.memory_space<hbm>>) dst(%arg5 : memref<64x128xf32, #tpu.memory_space<vmem>>)
      tpu.yield
    }) : () -> ()
    %mul3A_31 = arith.constant 512 : i32
    %mul3A_32 = arith.muli %add3A, %mul3A_31 : i32
    "tpu.region"() ({
      %run_scoped3A = tpu.sem_alloc : memref<!tpu.dma_semaphore, #tpu.memory_space<semaphore_mem>>
      %dma_start3A = tpu.memref_slice %arg3[%mul3A_32] : memref<16384xi32, #tpu.memory_space<hbm>> -> memref<512xi32, #tpu.memory_space<hbm>>
      %dma_start3A_42 = tpu.memref_slice %arg3[%mul3A_32] : memref<16384xi32, #tpu.memory_space<hbm>> -> memref<512xi32, #tpu.memory_space<hbm>>
      tpu.enqueue_dma source(%dma_start3A_42 : memref<512xi32, #tpu.memory_space<hbm>>) target(%arg6 : memref<512xi32, #tpu.memory_space<vmem>>) target_semaphore(%run_scoped3A : memref<!tpu.dma_semaphore, #tpu.memory_space<semaphore_mem>>)
      %dma_wait3A = tpu.memref_slice %arg3[%mul3A_32] : memref<16384xi32, #tpu.memory_space<hbm>> -> memref<512xi32, #tpu.memory_space<hbm>>
      %dma_wait3A_43 = tpu.memref_slice %arg3[%mul3A_32] : memref<16384xi32, #tpu.memory_space<hbm>> -> memref<512xi32, #tpu.memory_space<hbm>>
      tpu.wait_dma2 semaphore(%run_scoped3A : memref<!tpu.dma_semaphore, #tpu.memory_space<semaphore_mem>>) src(%dma_wait3A_43 : memref<512xi32, #tpu.memory_space<hbm>>) dst(%arg6 : memref<512xi32, #tpu.memory_space<vmem>>)
      tpu.yield
    }) : () -> ()
    %iota3A = tpu.iota {dimensions = array<i32: 0>} : vector<16xi32>
    %scan3A = arith.constant 0 : i32
    %scan3A_33 = arith.constant 0 : i32
    %scan3A_34 = arith.constant 32 : i32
    %scan3A_35 = arith.addi %scan3A_33, %scan3A_34 : i32
    %scan3A_36 = arith.constant 1 : i32
    scf.for %scan3A_42 = %scan3A_33 to %scan3A_35 step %scan3A_36  : i32 {
      %mul3A_43 = arith.constant 16 : i32
      %mul3A_44 = arith.muli %scan3A_42, %mul3A_43 : i32
      %get3A = arith.index_cast %mul3A_44 : i32 to index
      %get3A_45 = tpu.vector_load %arg6[%get3A] {strides = array<i32>} : memref<512xi32, #tpu.memory_space<vmem>>, vector<16xi32>,
      %jit3A_46 = arith.constant 16 : i32
      %eq3A_47 = arith.constant 0 : i32
      %eq3A_48 = arith.cmpi eq, %jit3A_46, %eq3A_47 : i32
      %jit3A_49 = arith.constant 1 : i32
      %select_n3A_50 = arith.select %eq3A_48, %jit3A_49, %jit3A_46 : i32
      %rem3A_51 = arith.remsi %scan3A_42, %select_n3A_50 : i32
      %ne3A_52 = arith.constant 0 : i32
      %ne3A_53 = arith.cmpi ne, %rem3A_51, %ne3A_52 : i32
      %lt3A_54 = arith.constant 0 : i32
      %lt3A_55 = arith.cmpi slt, %rem3A_51, %lt3A_54 : i32
      %lt3A_56 = arith.constant 0 : i32
      %lt3A_57 = arith.cmpi slt, %select_n3A_50, %lt3A_56 : i32
      %ne3A_58 = arith.xori %lt3A_55, %lt3A_57 : i1
      %and3A_59 = arith.andi %ne3A_58, %ne3A_53 : i1
      %add3A_60 = arith.addi %rem3A_51, %select_n3A_50 : i32
      %select_n3A_61 = arith.select %and3A_59, %add3A_60, %rem3A_51 : i32
      %mul3A_62 = arith.constant 16 : i32
      %mul3A_63 = arith.muli %select_n3A_61, %mul3A_62 : i32
      %add3A_64 = vector.broadcast %mul3A_63 : i32 to vector<16xi32>
      %add3A_65 = arith.addi %iota3A, %add3A_64 : vector<16xi32>
      %jit3A_66 = arith.constant 16 : i32
      %div3A_67 = arith.divsi %scan3A_42, %jit3A_66 : i32
      %sign3A_68 = arith.constant 0 : i32
      %sign3A_69 = arith.cmpi sgt, %scan3A_42, %sign3A_68 : i32
      %sign3A_70 = arith.extui %sign3A_69 : i1 to i32
      %sign3A_71 = arith.constant 0 : i32
      %sign3A_72 = arith.cmpi slt, %scan3A_42, %sign3A_71 : i32
      %sign3A_73 = arith.extui %sign3A_72 : i1 to i32
      %sign3A_74 = arith.subi %sign3A_70, %sign3A_73 : i32
      %sign3A_75 = arith.constant 0 : i32
      %sign3A_76 = arith.cmpi sgt, %jit3A_66, %sign3A_75 : i32
      %sign3A_77 = arith.extui %sign3A_76 : i1 to i32
      %sign3A_78 = arith.constant 0 : i32
      %sign3A_79 = arith.cmpi slt, %jit3A_66, %sign3A_78 : i32
      %sign3A_80 = arith.extui %sign3A_79 : i1 to i32
      %sign3A_81 = arith.subi %sign3A_77, %sign3A_80 : i32
      %ne3A_82 = arith.cmpi ne, %sign3A_74, %sign3A_81 : i32
      %rem3A_83 = arith.remsi %scan3A_42, %jit3A_66 : i32
      %ne3A_84 = arith.constant 0 : i32
      %ne3A_85 = arith.cmpi ne, %rem3A_83, %ne3A_84 : i32
      %and3A_86 = arith.andi %ne3A_82, %ne3A_85 : i1
      %sub3A_87 = arith.constant 1 : i32
      %sub3A_88 = arith.subi %div3A_67, %sub3A_87 : i32
      %select_n3A_89 = arith.select %and3A_86, %sub3A_88, %div3A_67 : i32
      %mul3A_90 = arith.constant 16 : i32
      %mul3A_91 = arith.muli %select_n3A_89, %mul3A_90 : i32
      %broadcast_in_dim3A = arith.constant 0 : i32
      %broadcast_in_dim3A_92 = vector.broadcast %broadcast_in_dim3A : i32 to vector<16xi32>
      %add3A_93 = vector.broadcast %mul3A_91 : i32 to vector<16xi32>
      %add3A_94 = arith.addi %broadcast_in_dim3A_92, %add3A_93 : vector<16xi32>
      %broadcast_in_dim3A_95 = arith.constant 0 : i32
      %broadcast_in_dim3A_96 = vector.broadcast %broadcast_in_dim3A_95 : i32 to vector<16xi32>
      %gather3A = tpu.vector_load_idx %arg5[%get3A_45, %broadcast_in_dim3A_96] : memref<64x128xf32, #tpu.memory_space<vmem>>[vector<16xi32>, vector<16xi32>], vector<16xf32>,
      tpu.vector_store_idx %arg7[%add3A_65, %add3A_94], %gather3A : memref<256x32xf32, #tpu.memory_space<vmem>>[vector<16xi32>, vector<16xi32>], vector<16xf32>,
      %broadcast_in_dim3A_97 = arith.constant 1 : i32
      %broadcast_in_dim3A_98 = vector.broadcast %broadcast_in_dim3A_97 : i32 to vector<16xi32>
      %add3A_99 = vector.broadcast %mul3A_91 : i32 to vector<16xi32>
      %add3A_100 = arith.addi %broadcast_in_dim3A_98, %add3A_99 : vector<16xi32>
      %broadcast_in_dim3A_101 = arith.constant 1 : i32
      %broadcast_in_dim3A_102 = vector.broadcast %broadcast_in_dim3A_101 : i32 to vector<16xi32>
      %gather3A_103 = tpu.vector_load_idx %arg5[%get3A_45, %broadcast_in_dim3A_102] : memref<64x128xf32, #tpu.memory_space<vmem>>[vector<16xi32>, vector<16xi32>], vector<16xf32>,
      tpu.vector_store_idx %arg7[%add3A_65, %add3A_100], %gather3A_103 : memref<256x32xf32, #tpu.memory_space<vmem>>[vector<16xi32>, vector<16xi32>], vector<16xf32>,
      %broadcast_in_dim3A_104 = arith.constant 2 : i32
      %broadcast_in_dim3A_105 = vector.broadcast %broadcast_in_dim3A_104 : i32 to vector<16xi32>
      %add3A_106 = vector.broadcast %mul3A_91 : i32 to vector<16xi32>
      %add3A_107 = arith.addi %broadcast_in_dim3A_105, %add3A_106 : vector<16xi32>
      %broadcast_in_dim3A_108 = arith.constant 2 : i32
      %broadcast_in_dim3A_109 = vector.broadcast %broadcast_in_dim3A_108 : i32 to vector<16xi32>
      %gather3A_110 = tpu.vector_load_idx %arg5[%get3A_45, %broadcast_in_dim3A_109] : memref<64x128xf32, #tpu.memory_space<vmem>>[vector<16xi32>, vector<16xi32>], vector<16xf32>,
      tpu.vector_store_idx %arg7[%add3A_65, %add3A_107], %gather3A_110 : memref<256x32xf32, #tpu.memory_space<vmem>>[vector<16xi32>, vector<16xi32>], vector<16xf32>,
      %broadcast_in_dim3A_111 = arith.constant 3 : i32
      %broadcast_in_dim3A_112 = vector.broadcast %broadcast_in_dim3A_111 : i32 to vector<16xi32>
      %add3A_113 = vector.broadcast %mul3A_91 : i32 to vector<16xi32>
      %add3A_114 = arith.addi %broadcast_in_dim3A_112, %add3A_113 : vector<16xi32>
      %broadcast_in_dim3A_115 = arith.constant 3 : i32
      %broadcast_in_dim3A_116 = vector.broadcast %broadcast_in_dim3A_115 : i32 to vector<16xi32>
      %gather3A_117 = tpu.vector_load_idx %arg5[%get3A_45, %broadcast_in_dim3A_116] : memref<64x128xf32, #tpu.memory_space<vmem>>[vector<16xi32>, vector<16xi32>], vector<16xf32>,
      tpu.vector_store_idx %arg7[%add3A_65, %add3A_114], %gather3A_117 : memref<256x32xf32, #tpu.memory_space<vmem>>[vector<16xi32>, vector<16xi32>], vector<16xf32>,
      %broadcast_in_dim3A_118 = arith.constant 4 : i32
      %broadcast_in_dim3A_119 = vector.broadcast %broadcast_in_dim3A_118 : i32 to vector<16xi32>
      %add3A_120 = vector.broadcast %mul3A_91 : i32 to vector<16xi32>
      %add3A_121 = arith.addi %broadcast_in_dim3A_119, %add3A_120 : vector<16xi32>
      %broadcast_in_dim3A_122 = arith.constant 4 : i32
      %broadcast_in_dim3A_123 = vector.broadcast %broadcast_in_dim3A_122 : i32 to vector<16xi32>
      %gather3A_124 = tpu.vector_load_idx %arg5[%get3A_45, %broadcast_in_dim3A_123] : memref<64x128xf32, #tpu.memory_space<vmem>>[vector<16xi32>, vector<16xi32>], vector<16xf32>,
      tpu.vector_store_idx %arg7[%add3A_65, %add3A_121], %gather3A_124 : memref<256x32xf32, #tpu.memory_space<vmem>>[vector<16xi32>, vector<16xi32>], vector<16xf32>,
      %broadcast_in_dim3A_125 = arith.constant 5 : i32
      %broadcast_in_dim3A_126 = vector.broadcast %broadcast_in_dim3A_125 : i32 to vector<16xi32>
      %add3A_127 = vector.broadcast %mul3A_91 : i32 to vector<16xi32>
      %add3A_128 = arith.addi %broadcast_in_dim3A_126, %add3A_127 : vector<16xi32>
      %broadcast_in_dim3A_129 = arith.constant 5 : i32
      %broadcast_in_dim3A_130 = vector.broadcast %broadcast_in_dim3A_129 : i32 to vector<16xi32>
      %gather3A_131 = tpu.vector_load_idx %arg5[%get3A_45, %broadcast_in_dim3A_130] : memref<64x128xf32, #tpu.memory_space<vmem>>[vector<16xi32>, vector<16xi32>], vector<16xf32>,
      tpu.vector_store_idx %arg7[%add3A_65, %add3A_128], %gather3A_131 : memref<256x32xf32, #tpu.memory_space<vmem>>[vector<16xi32>, vector<16xi32>], vector<16xf32>,
    }
    %scan3A_37 = arith.constant 32 : i32
    %mul3A_38 = arith.constant 256 : i32
    %mul3A_39 = arith.muli %select_n3A, %mul3A_38 : i32
    %mul3A_40 = arith.constant 32 : i32
    %mul3A_41 = arith.muli %select_n3A_30, %mul3A_40 : i32
    "tpu.region"() ({
      %run_scoped3A = tpu.sem_alloc : memref<!tpu.dma_semaphore, #tpu.memory_space<semaphore_mem>>
      %dma_start3A = tpu.memref_slice %arg4[%mul3A_39, %mul3A_41] : memref<2048x128xf32, #tpu.memory_space<hbm>> -> memref<256x32xf32, #tpu.memory_space<hbm>>
      %dma_start3A_42 = tpu.memref_slice %arg4[%mul3A_39, %mul3A_41] : memref<2048x128xf32, #tpu.memory_space<hbm>> -> memref<256x32xf32, #tpu.memory_space<hbm>>
      tpu.enqueue_dma source(%arg7 : memref<256x32xf32, #tpu.memory_space<vmem>>) target(%dma_start3A_42 : memref<256x32xf32, #tpu.memory_space<hbm>>) target_semaphore(%run_scoped3A : memref<!tpu.dma_semaphore, #tpu.memory_space<semaphore_mem>>)
      %dma_wait3A = tpu.memref_slice %arg4[%mul3A_39, %mul3A_41] : memref<2048x128xf32, #tpu.memory_space<hbm>> -> memref<256x32xf32, #tpu.memory_space<hbm>>
      %dma_wait3A_43 = tpu.memref_slice %arg4[%mul3A_39, %mul3A_41] : memref<2048x128xf32, #tpu.memory_space<hbm>> -> memref<256x32xf32, #tpu.memory_space<hbm>>
      tpu.wait_dma2 semaphore(%run_scoped3A : memref<!tpu.dma_semaphore, #tpu.memory_space<semaphore_mem>>) src(%arg7 : memref<256x32xf32, #tpu.memory_space<vmem>>) dst(%dma_wait3A_43 : memref<256x32xf32, #tpu.memory_space<hbm>>)
      tpu.yield
    }) : () -> ()
    return
  }
}

module attributes {stable_mosaic.version = 14 : i64} {
  func.func @_tc_combine(%arg0: i32, %arg1: memref<1024x128xf32, #tpu.memory_space<vmem>>, %arg2: memref<1024x128xf32, #tpu.memory_space<vmem>>, %arg3: memref<1024x16xf32, #tpu.memory_space<vmem>>) attributes {dimension_semantics = [#tpu.dimension_semantics<arbitrary>], iteration_bounds = array<i64: 2>, scalar_prefetch = 0 : i64, scratch_operands = 0 : i64, tpu.core_type = #tpu.core_type<tc>, window_params = [{transform_indices = @transform_0, window_bounds = array<i64: 1024, 128>}, {transform_indices = @transform_1, window_bounds = array<i64: 1024, 128>}, {transform_indices = @transform_2, window_bounds = array<i64: 1024, 16>}]} {
    %iota3A = tpu.iota {dimensions = array<i32: 0>} : vector<128x16xi32>
    %iota3A_0 = tpu.iota {dimensions = array<i32: 1>} : vector<128x16xi32>
    %jit3A = arith.constant 16 : i32
    %div3A = vector.broadcast %jit3A : i32 to vector<128x16xi32>
    %div3A_1 = arith.divsi %iota3A, %div3A : vector<128x16xi32>
    %sign3A = arith.constant 0 : i32
    %sign3A_2 = vector.broadcast %sign3A : i32 to vector<128x16xi32>
    %sign3A_3 = arith.cmpi sgt, %iota3A, %sign3A_2 : vector<128x16xi32>
    %sign3A_4 = arith.extui %sign3A_3 : vector<128x16xi1> to vector<128x16xi32>
    %sign3A_5 = arith.constant 0 : i32
    %sign3A_6 = vector.broadcast %sign3A_5 : i32 to vector<128x16xi32>
    %sign3A_7 = arith.cmpi slt, %iota3A, %sign3A_6 : vector<128x16xi32>
    %sign3A_8 = arith.extui %sign3A_7 : vector<128x16xi1> to vector<128x16xi32>
    %sign3A_9 = arith.subi %sign3A_4, %sign3A_8 : vector<128x16xi32>
    %sign3A_10 = arith.constant 0 : i32
    %sign3A_11 = arith.cmpi sgt, %jit3A, %sign3A_10 : i32
    %sign3A_12 = arith.extui %sign3A_11 : i1 to i32
    %sign3A_13 = arith.constant 0 : i32
    %sign3A_14 = arith.cmpi slt, %jit3A, %sign3A_13 : i32
    %sign3A_15 = arith.extui %sign3A_14 : i1 to i32
    %sign3A_16 = arith.subi %sign3A_12, %sign3A_15 : i32
    %ne3A = vector.broadcast %sign3A_16 : i32 to vector<128x16xi32>
    %ne3A_17 = arith.cmpi ne, %sign3A_9, %ne3A : vector<128x16xi32>
    %rem3A = vector.broadcast %jit3A : i32 to vector<128x16xi32>
    %rem3A_18 = arith.remsi %iota3A, %rem3A : vector<128x16xi32>
    %ne3A_19 = arith.constant 0 : i32
    %ne3A_20 = vector.broadcast %ne3A_19 : i32 to vector<128x16xi32>
    %ne3A_21 = arith.cmpi ne, %rem3A_18, %ne3A_20 : vector<128x16xi32>
    %and3A = arith.andi %ne3A_17, %ne3A_21 : vector<128x16xi1>
    %sub3A = arith.constant 1 : i32
    %sub3A_22 = vector.broadcast %sub3A : i32 to vector<128x16xi32>
    %sub3A_23 = arith.subi %div3A_1, %sub3A_22 : vector<128x16xi32>
    %select_n3A = arith.select %and3A, %sub3A_23, %div3A_1 : vector<128x16xi1>, vector<128x16xi32>
    %jit3A_24 = arith.constant 2 : i32
    %div3A_25 = vector.broadcast %jit3A_24 : i32 to vector<128x16xi32>
    %div3A_26 = arith.divsi %iota3A_0, %div3A_25 : vector<128x16xi32>
    %sign3A_27 = arith.constant 0 : i32
    %sign3A_28 = vector.broadcast %sign3A_27 : i32 to vector<128x16xi32>
    %sign3A_29 = arith.cmpi sgt, %iota3A_0, %sign3A_28 : vector<128x16xi32>
    %sign3A_30 = arith.extui %sign3A_29 : vector<128x16xi1> to vector<128x16xi32>
    %sign3A_31 = arith.constant 0 : i32
    %sign3A_32 = vector.broadcast %sign3A_31 : i32 to vector<128x16xi32>
    %sign3A_33 = arith.cmpi slt, %iota3A_0, %sign3A_32 : vector<128x16xi32>
    %sign3A_34 = arith.extui %sign3A_33 : vector<128x16xi1> to vector<128x16xi32>
    %sign3A_35 = arith.subi %sign3A_30, %sign3A_34 : vector<128x16xi32>
    %sign3A_36 = arith.constant 0 : i32
    %sign3A_37 = arith.cmpi sgt, %jit3A_24, %sign3A_36 : i32
    %sign3A_38 = arith.extui %sign3A_37 : i1 to i32
    %sign3A_39 = arith.constant 0 : i32
    %sign3A_40 = arith.cmpi slt, %jit3A_24, %sign3A_39 : i32
    %sign3A_41 = arith.extui %sign3A_40 : i1 to i32
    %sign3A_42 = arith.subi %sign3A_38, %sign3A_41 : i32
    %ne3A_43 = vector.broadcast %sign3A_42 : i32 to vector<128x16xi32>
    %ne3A_44 = arith.cmpi ne, %sign3A_35, %ne3A_43 : vector<128x16xi32>
    %rem3A_45 = vector.broadcast %jit3A_24 : i32 to vector<128x16xi32>
    %rem3A_46 = arith.remsi %iota3A_0, %rem3A_45 : vector<128x16xi32>
    %ne3A_47 = arith.constant 0 : i32
    %ne3A_48 = vector.broadcast %ne3A_47 : i32 to vector<128x16xi32>
    %ne3A_49 = arith.cmpi ne, %rem3A_46, %ne3A_48 : vector<128x16xi32>
    %and3A_50 = arith.andi %ne3A_44, %ne3A_49 : vector<128x16xi1>
    %sub3A_51 = arith.constant 1 : i32
    %sub3A_52 = vector.broadcast %sub3A_51 : i32 to vector<128x16xi32>
    %sub3A_53 = arith.subi %div3A_26, %sub3A_52 : vector<128x16xi32>
    %select_n3A_54 = arith.select %and3A_50, %sub3A_53, %div3A_26 : vector<128x16xi1>, vector<128x16xi32>
    %eq3A = arith.cmpi eq, %select_n3A, %select_n3A_54 : vector<128x16xi32>
    %jit3A_55 = arith.constant 16 : i32
    %eq3A_56 = arith.constant 0 : i32
    %eq3A_57 = arith.cmpi eq, %jit3A_55, %eq3A_56 : i32
    %jit3A_58 = arith.constant 1 : i32
    %select_n3A_59 = arith.select %eq3A_57, %jit3A_58, %jit3A_55 : i32
    %rem3A_60 = vector.broadcast %select_n3A_59 : i32 to vector<128x16xi32>
    %rem3A_61 = arith.remsi %iota3A, %rem3A_60 : vector<128x16xi32>
    %ne3A_62 = arith.constant 0 : i32
    %ne3A_63 = vector.broadcast %ne3A_62 : i32 to vector<128x16xi32>
    %ne3A_64 = arith.cmpi ne, %rem3A_61, %ne3A_63 : vector<128x16xi32>
    %lt3A = arith.constant 0 : i32
    %lt3A_65 = vector.broadcast %lt3A : i32 to vector<128x16xi32>
    %lt3A_66 = arith.cmpi slt, %rem3A_61, %lt3A_65 : vector<128x16xi32>
    %lt3A_67 = arith.constant 0 : i32
    %lt3A_68 = arith.cmpi slt, %select_n3A_59, %lt3A_67 : i32
    %ne3A_69 = vector.broadcast %lt3A_68 : i1 to vector<128x16xi1>
    %ne3A_70 = vector.broadcast %ne3A_69 : vector<128x16xi1> to vector<128x16xi1>
    %ne3A_71 = arith.xori %lt3A_66, %ne3A_70 : vector<128x16xi1>
    %and3A_72 = arith.andi %ne3A_71, %ne3A_64 : vector<128x16xi1>
    %add3A = vector.broadcast %select_n3A_59 : i32 to vector<128x16xi32>
    %add3A_73 = arith.addi %rem3A_61, %add3A : vector<128x16xi32>
    %select_n3A_74 = arith.select %and3A_72, %add3A_73, %rem3A_61 : vector<128x16xi1>, vector<128x16xi32>
    %lt3A_75 = arith.constant 6 : i32
    %lt3A_76 = vector.broadcast %lt3A_75 : i32 to vector<128x16xi32>
    %lt3A_77 = arith.cmpi slt, %select_n3A_74, %lt3A_76 : vector<128x16xi32>
    %and3A_78 = arith.andi %eq3A, %lt3A_77 : vector<128x16xi1>
    %jit3A_79 = arith.constant 2 : i32
    %eq3A_80 = arith.constant 0 : i32
    %eq3A_81 = arith.cmpi eq, %jit3A_79, %eq3A_80 : i32
    %jit3A_82 = arith.constant 1 : i32
    %select_n3A_83 = arith.select %eq3A_81, %jit3A_82, %jit3A_79 : i32
    %rem3A_84 = vector.broadcast %select_n3A_83 : i32 to vector<128x16xi32>
    %rem3A_85 = arith.remsi %iota3A, %rem3A_84 : vector<128x16xi32>
    %ne3A_86 = arith.constant 0 : i32
    %ne3A_87 = vector.broadcast %ne3A_86 : i32 to vector<128x16xi32>
    %ne3A_88 = arith.cmpi ne, %rem3A_85, %ne3A_87 : vector<128x16xi32>
    %lt3A_89 = arith.constant 0 : i32
    %lt3A_90 = vector.broadcast %lt3A_89 : i32 to vector<128x16xi32>
    %lt3A_91 = arith.cmpi slt, %rem3A_85, %lt3A_90 : vector<128x16xi32>
    %lt3A_92 = arith.constant 0 : i32
    %lt3A_93 = arith.cmpi slt, %select_n3A_83, %lt3A_92 : i32
    %ne3A_94 = vector.broadcast %lt3A_93 : i1 to vector<128x16xi1>
    %ne3A_95 = vector.broadcast %ne3A_94 : vector<128x16xi1> to vector<128x16xi1>
    %ne3A_96 = arith.xori %lt3A_91, %ne3A_95 : vector<128x16xi1>
    %and3A_97 = arith.andi %ne3A_96, %ne3A_88 : vector<128x16xi1>
    %add3A_98 = vector.broadcast %select_n3A_83 : i32 to vector<128x16xi32>
    %add3A_99 = arith.addi %rem3A_85, %add3A_98 : vector<128x16xi32>
    %select_n3A_100 = arith.select %and3A_97, %add3A_99, %rem3A_85 : vector<128x16xi1>, vector<128x16xi32>
    %jit3A_101 = arith.constant 2 : i32
    %eq3A_102 = arith.constant 0 : i32
    %eq3A_103 = arith.cmpi eq, %jit3A_101, %eq3A_102 : i32
    %jit3A_104 = arith.constant 1 : i32
    %select_n3A_105 = arith.select %eq3A_103, %jit3A_104, %jit3A_101 : i32
    %rem3A_106 = vector.broadcast %select_n3A_105 : i32 to vector<128x16xi32>
    %rem3A_107 = arith.remsi %iota3A_0, %rem3A_106 : vector<128x16xi32>
    %ne3A_108 = arith.constant 0 : i32
    %ne3A_109 = vector.broadcast %ne3A_108 : i32 to vector<128x16xi32>
    %ne3A_110 = arith.cmpi ne, %rem3A_107, %ne3A_109 : vector<128x16xi32>
    %lt3A_111 = arith.constant 0 : i32
    %lt3A_112 = vector.broadcast %lt3A_111 : i32 to vector<128x16xi32>
    %lt3A_113 = arith.cmpi slt, %rem3A_107, %lt3A_112 : vector<128x16xi32>
    %lt3A_114 = arith.constant 0 : i32
    %lt3A_115 = arith.cmpi slt, %select_n3A_105, %lt3A_114 : i32
    %ne3A_116 = vector.broadcast %lt3A_115 : i1 to vector<128x16xi1>
    %ne3A_117 = vector.broadcast %ne3A_116 : vector<128x16xi1> to vector<128x16xi1>
    %ne3A_118 = arith.xori %lt3A_113, %ne3A_117 : vector<128x16xi1>
    %and3A_119 = arith.andi %ne3A_118, %ne3A_110 : vector<128x16xi1>
    %add3A_120 = vector.broadcast %select_n3A_105 : i32 to vector<128x16xi32>
    %add3A_121 = arith.addi %rem3A_107, %add3A_120 : vector<128x16xi32>
    %select_n3A_122 = arith.select %and3A_119, %add3A_121, %rem3A_107 : vector<128x16xi1>, vector<128x16xi32>
    %eq3A_123 = arith.cmpi eq, %select_n3A_100, %select_n3A_122 : vector<128x16xi32>
    %and3A_124 = arith.andi %and3A_78, %eq3A_123 : vector<128x16xi1>
    %convert_element_type3A = arith.extui %and3A_124 : vector<128x16xi1> to vector<128x16xi32>
    %convert_element_type3A_125 = arith.sitofp %convert_element_type3A : vector<128x16xi32> to vector<128x16xf32>
    %get3A = arith.constant 0 : index
    %get3A_126 = arith.constant 0 : index
    %get3A_127 = vector.load %arg1[%get3A, %get3A_126] : memref<1024x128xf32, #tpu.memory_space<vmem>>, vector<1024x128xf32>
    %get3A_128 = arith.constant 0 : index
    %get3A_129 = arith.constant 0 : index
    %get3A_130 = vector.load %arg2[%get3A_128, %get3A_129] : memref<1024x128xf32, #tpu.memory_space<vmem>>, vector<1024x128xf32>
    %mul3A = arith.mulf %get3A_127, %get3A_130 : vector<1024x128xf32>
    %dot_general3A = arith.constant dense<0.000000e+00> : vector<1024x16xf32>
    %dot_general3A_131 = tpu.matmul %mul3A, %convert_element_type3A_125, %dot_general3A {dimension_numbers = #tpu.dot_dimension_numbers<[1], [0], [0], [1], [0, 0, 1, 1], [], []>, transpose_lhs_hint = false} : vector<1024x128xf32>, vector<128x16xf32>, vector<1024x16xf32> -> vector<1024x16xf32>
    %swap3A = arith.constant 0 : index
    %swap3A_132 = arith.constant 0 : index
    %swap3A_133 = vector.load %arg3[%swap3A, %swap3A_132] : memref<1024x16xf32, #tpu.memory_space<vmem>>, vector<1024x16xf32>
    tpu.vector_store %arg3[%swap3A, %swap3A_132], %dot_general3A_131 {strides = array<i32>} : memref<1024x16xf32, #tpu.memory_space<vmem>>, vector<1024x16xf32>,
    return
  }
  func.func @transform_0(%arg0: i32) -> (i32, i32) {
    %c0_i32 = arith.constant 0 : i32
    %c0_i32_0 = arith.constant 0 : i32
    return %arg0, %c0_i32 : i32, i32
  }
  func.func @transform_1(%arg0: i32) -> (i32, i32) {
    %c0_i32 = arith.constant 0 : i32
    %c0_i32_0 = arith.constant 0 : i32
    return %arg0, %c0_i32 : i32, i32
  }
  func.func @transform_2(%arg0: i32) -> (i32, i32) {
    %c0_i32 = arith.constant 0 : i32
    %c0_i32_0 = arith.constant 0 : i32
    return %arg0, %c0_i32 : i32, i32
  }
}

module attributes {stable_mosaic.version = 14 : i64} {
  func.func @_tc_expand(%arg0: i32, %arg1: memref<4096x128xf32, #tpu.memory_space<vmem>>, %arg2: memref<128x2xf32, #tpu.memory_space<vmem>>, %arg3: memref<1x2xf32, #tpu.memory_space<vmem>>, %arg4: memref<512x128xf32, #tpu.memory_space<vmem>>) attributes {dimension_semantics = [#tpu.dimension_semantics<arbitrary>], iteration_bounds = array<i64: 4>, scalar_prefetch = 0 : i64, scratch_operands = 0 : i64, tpu.core_type = #tpu.core_type<tc>, window_params = [{transform_indices = @transform_0, window_bounds = array<i64: 4096, 128>}, {pipeline_mode = #tpu.pipeline_mode<synchronous>, transform_indices = @transform_1, window_bounds = array<i64: 128, 2>}, {pipeline_mode = #tpu.pipeline_mode<synchronous>, transform_indices = @transform_2, window_bounds = array<i64: 1, 2>}, {transform_indices = @transform_3, window_bounds = array<i64: 512, 128>}]} {
    %iota3A = tpu.iota {dimensions = array<i32: 0>} : vector<2x16xi32>
    %iota3A_0 = tpu.iota {dimensions = array<i32: 1>} : vector<2x16xi32>
    %jit3A = arith.constant 2 : i32
    %div3A = vector.broadcast %jit3A : i32 to vector<2x16xi32>
    %div3A_1 = arith.divsi %iota3A_0, %div3A : vector<2x16xi32>
    %sign3A = arith.constant 0 : i32
    %sign3A_2 = vector.broadcast %sign3A : i32 to vector<2x16xi32>
    %sign3A_3 = arith.cmpi sgt, %iota3A_0, %sign3A_2 : vector<2x16xi32>
    %sign3A_4 = arith.extui %sign3A_3 : vector<2x16xi1> to vector<2x16xi32>
    %sign3A_5 = arith.constant 0 : i32
    %sign3A_6 = vector.broadcast %sign3A_5 : i32 to vector<2x16xi32>
    %sign3A_7 = arith.cmpi slt, %iota3A_0, %sign3A_6 : vector<2x16xi32>
    %sign3A_8 = arith.extui %sign3A_7 : vector<2x16xi1> to vector<2x16xi32>
    %sign3A_9 = arith.subi %sign3A_4, %sign3A_8 : vector<2x16xi32>
    %sign3A_10 = arith.constant 0 : i32
    %sign3A_11 = arith.cmpi sgt, %jit3A, %sign3A_10 : i32
    %sign3A_12 = arith.extui %sign3A_11 : i1 to i32
    %sign3A_13 = arith.constant 0 : i32
    %sign3A_14 = arith.cmpi slt, %jit3A, %sign3A_13 : i32
    %sign3A_15 = arith.extui %sign3A_14 : i1 to i32
    %sign3A_16 = arith.subi %sign3A_12, %sign3A_15 : i32
    %ne3A = vector.broadcast %sign3A_16 : i32 to vector<2x16xi32>
    %ne3A_17 = arith.cmpi ne, %sign3A_9, %ne3A : vector<2x16xi32>
    %rem3A = vector.broadcast %jit3A : i32 to vector<2x16xi32>
    %rem3A_18 = arith.remsi %iota3A_0, %rem3A : vector<2x16xi32>
    %ne3A_19 = arith.constant 0 : i32
    %ne3A_20 = vector.broadcast %ne3A_19 : i32 to vector<2x16xi32>
    %ne3A_21 = arith.cmpi ne, %rem3A_18, %ne3A_20 : vector<2x16xi32>
    %and3A = arith.andi %ne3A_17, %ne3A_21 : vector<2x16xi1>
    %sub3A = arith.constant 1 : i32
    %sub3A_22 = vector.broadcast %sub3A : i32 to vector<2x16xi32>
    %sub3A_23 = arith.subi %div3A_1, %sub3A_22 : vector<2x16xi32>
    %select_n3A = arith.select %and3A, %sub3A_23, %div3A_1 : vector<2x16xi1>, vector<2x16xi32>
    %eq3A = arith.cmpi eq, %select_n3A, %iota3A : vector<2x16xi32>
    %convert_element_type3A = arith.extui %eq3A : vector<2x16xi1> to vector<2x16xi32>
    %convert_element_type3A_24 = arith.sitofp %convert_element_type3A : vector<2x16xi32> to vector<2x16xf32>
    %iota3A_25 = tpu.iota {dimensions = array<i32: 1>} : vector<1x16xi32>
    %jit3A_26 = arith.constant 2 : i32
    %div3A_27 = vector.broadcast %jit3A_26 : i32 to vector<1x16xi32>
    %div3A_28 = arith.divsi %iota3A_25, %div3A_27 : vector<1x16xi32>
    %sign3A_29 = arith.constant 0 : i32
    %sign3A_30 = vector.broadcast %sign3A_29 : i32 to vector<1x16xi32>
    %sign3A_31 = arith.cmpi sgt, %iota3A_25, %sign3A_30 : vector<1x16xi32>
    %sign3A_32 = arith.extui %sign3A_31 : vector<1x16xi1> to vector<1x16xi32>
    %sign3A_33 = arith.constant 0 : i32
    %sign3A_34 = vector.broadcast %sign3A_33 : i32 to vector<1x16xi32>
    %sign3A_35 = arith.cmpi slt, %iota3A_25, %sign3A_34 : vector<1x16xi32>
    %sign3A_36 = arith.extui %sign3A_35 : vector<1x16xi1> to vector<1x16xi32>
    %sign3A_37 = arith.subi %sign3A_32, %sign3A_36 : vector<1x16xi32>
    %sign3A_38 = arith.constant 0 : i32
    %sign3A_39 = arith.cmpi sgt, %jit3A_26, %sign3A_38 : i32
    %sign3A_40 = arith.extui %sign3A_39 : i1 to i32
    %sign3A_41 = arith.constant 0 : i32
    %sign3A_42 = arith.cmpi slt, %jit3A_26, %sign3A_41 : i32
    %sign3A_43 = arith.extui %sign3A_42 : i1 to i32
    %sign3A_44 = arith.subi %sign3A_40, %sign3A_43 : i32
    %ne3A_45 = vector.broadcast %sign3A_44 : i32 to vector<1x16xi32>
    %ne3A_46 = arith.cmpi ne, %sign3A_37, %ne3A_45 : vector<1x16xi32>
    %rem3A_47 = vector.broadcast %jit3A_26 : i32 to vector<1x16xi32>
    %rem3A_48 = arith.remsi %iota3A_25, %rem3A_47 : vector<1x16xi32>
    %ne3A_49 = arith.constant 0 : i32
    %ne3A_50 = vector.broadcast %ne3A_49 : i32 to vector<1x16xi32>
    %ne3A_51 = arith.cmpi ne, %rem3A_48, %ne3A_50 : vector<1x16xi32>
    %and3A_52 = arith.andi %ne3A_46, %ne3A_51 : vector<1x16xi1>
    %sub3A_53 = arith.constant 1 : i32
    %sub3A_54 = vector.broadcast %sub3A_53 : i32 to vector<1x16xi32>
    %sub3A_55 = arith.subi %div3A_28, %sub3A_54 : vector<1x16xi32>
    %select_n3A_56 = arith.select %and3A_52, %sub3A_55, %div3A_28 : vector<1x16xi1>, vector<1x16xi32>
    %eq3A_57 = arith.constant 2 : i32
    %eq3A_58 = vector.broadcast %eq3A_57 : i32 to vector<1x16xi32>
    %eq3A_59 = arith.cmpi eq, %select_n3A_56, %eq3A_58 : vector<1x16xi32>
    %convert_element_type3A_60 = arith.extui %eq3A_59 : vector<1x16xi1> to vector<1x16xi32>
    %convert_element_type3A_61 = arith.sitofp %convert_element_type3A_60 : vector<1x16xi32> to vector<1x16xf32>
    %get3A = arith.constant 0 : index
    %get3A_62 = arith.constant 0 : index
    %get3A_63 = vector.load %arg2[%get3A, %get3A_62] : memref<128x2xf32, #tpu.memory_space<vmem>>, vector<128x2xf32>
    %dot_general3A = arith.constant dense<0.000000e+00> : vector<128x16xf32>
    %dot_general3A_64 = tpu.matmul %get3A_63, %convert_element_type3A_24, %dot_general3A {dimension_numbers = #tpu.dot_dimension_numbers<[1], [0], [0], [1], [0, 0, 1, 1], [], []>, transpose_lhs_hint = false} : vector<128x2xf32>, vector<2x16xf32>, vector<128x16xf32> -> vector<128x16xf32>
    %convert_element_type3A_65 = arith.truncf %dot_general3A_64 : vector<128x16xf32> to vector<128x16xbf16>
    %get3A_66 = arith.constant 0 : index
    %get3A_67 = arith.constant 0 : index
    %get3A_68 = vector.load %arg3[%get3A_66, %get3A_67] : memref<1x2xf32, #tpu.memory_space<vmem>>, vector<1x2xf32>
    %dot_general3A_69 = arith.constant dense<0.000000e+00> : vector<1x16xf32>
    %dot_general3A_70 = tpu.matmul %get3A_68, %convert_element_type3A_24, %dot_general3A_69 {dimension_numbers = #tpu.dot_dimension_numbers<[1], [0], [0], [1], [0, 0, 1, 1], [], []>, transpose_lhs_hint = false} : vector<1x2xf32>, vector<2x16xf32>, vector<1x16xf32> -> vector<1x16xf32>
    %add3A = arith.addf %dot_general3A_70, %convert_element_type3A_61 : vector<1x16xf32>
    %get3A_71 = arith.constant 0 : index
    %get3A_72 = arith.constant 0 : index
    %get3A_73 = vector.load %arg1[%get3A_71, %get3A_72] : memref<4096x128xf32, #tpu.memory_space<vmem>>, vector<4096x128xf32>
    %convert_element_type3A_74 = arith.truncf %get3A_73 : vector<4096x128xf32> to vector<4096x128xbf16>
    %slice3A = vector.extract_strided_slice %convert_element_type3A_74 {offsets = [0, 0], sizes = [256, 128], strides = [1, 1]} : vector<4096x128xbf16> to vector<256x128xbf16>
    %dot_general3A_75 = arith.constant dense<0.000000e+00> : vector<256x16xf32>
    %dot_general3A_76 = tpu.matmul %slice3A, %convert_element_type3A_65, %dot_general3A_75 {dimension_numbers = #tpu.dot_dimension_numbers<[1], [0], [0], [1], [0, 0, 1, 1], [], []>, transpose_lhs_hint = false} : vector<256x128xbf16>, vector<128x16xbf16>, vector<256x16xf32> -> vector<256x16xf32>
    %add3A_77 = vector.broadcast %add3A : vector<1x16xf32> to vector<256x16xf32>
    %add3A_78 = arith.addf %dot_general3A_76, %add3A_77 : vector<256x16xf32>
    %slice3A_79 = vector.extract_strided_slice %convert_element_type3A_74 {offsets = [256, 0], sizes = [256, 128], strides = [1, 1]} : vector<4096x128xbf16> to vector<256x128xbf16>
    %dot_general3A_80 = arith.constant dense<0.000000e+00> : vector<256x16xf32>
    %dot_general3A_81 = tpu.matmul %slice3A_79, %convert_element_type3A_65, %dot_general3A_80 {dimension_numbers = #tpu.dot_dimension_numbers<[1], [0], [0], [1], [0, 0, 1, 1], [], []>, transpose_lhs_hint = false} : vector<256x128xbf16>, vector<128x16xbf16>, vector<256x16xf32> -> vector<256x16xf32>
    %add3A_82 = vector.broadcast %add3A : vector<1x16xf32> to vector<256x16xf32>
    %add3A_83 = arith.addf %dot_general3A_81, %add3A_82 : vector<256x16xf32>
    %slice3A_84 = vector.extract_strided_slice %convert_element_type3A_74 {offsets = [512, 0], sizes = [256, 128], strides = [1, 1]} : vector<4096x128xbf16> to vector<256x128xbf16>
    %dot_general3A_85 = arith.constant dense<0.000000e+00> : vector<256x16xf32>
    %dot_general3A_86 = tpu.matmul %slice3A_84, %convert_element_type3A_65, %dot_general3A_85 {dimension_numbers = #tpu.dot_dimension_numbers<[1], [0], [0], [1], [0, 0, 1, 1], [], []>, transpose_lhs_hint = false} : vector<256x128xbf16>, vector<128x16xbf16>, vector<256x16xf32> -> vector<256x16xf32>
    %add3A_87 = vector.broadcast %add3A : vector<1x16xf32> to vector<256x16xf32>
    %add3A_88 = arith.addf %dot_general3A_86, %add3A_87 : vector<256x16xf32>
    %slice3A_89 = vector.extract_strided_slice %convert_element_type3A_74 {offsets = [768, 0], sizes = [256, 128], strides = [1, 1]} : vector<4096x128xbf16> to vector<256x128xbf16>
    %dot_general3A_90 = arith.constant dense<0.000000e+00> : vector<256x16xf32>
    %dot_general3A_91 = tpu.matmul %slice3A_89, %convert_element_type3A_65, %dot_general3A_90 {dimension_numbers = #tpu.dot_dimension_numbers<[1], [0], [0], [1], [0, 0, 1, 1], [], []>, transpose_lhs_hint = false} : vector<256x128xbf16>, vector<128x16xbf16>, vector<256x16xf32> -> vector<256x16xf32>
    %add3A_92 = vector.broadcast %add3A : vector<1x16xf32> to vector<256x16xf32>
    %add3A_93 = arith.addf %dot_general3A_91, %add3A_92 : vector<256x16xf32>
    %slice3A_94 = vector.extract_strided_slice %convert_element_type3A_74 {offsets = [1024, 0], sizes = [256, 128], strides = [1, 1]} : vector<4096x128xbf16> to vector<256x128xbf16>
    %dot_general3A_95 = arith.constant dense<0.000000e+00> : vector<256x16xf32>
    %dot_general3A_96 = tpu.matmul %slice3A_94, %convert_element_type3A_65, %dot_general3A_95 {dimension_numbers = #tpu.dot_dimension_numbers<[1], [0], [0], [1], [0, 0, 1, 1], [], []>, transpose_lhs_hint = false} : vector<256x128xbf16>, vector<128x16xbf16>, vector<256x16xf32> -> vector<256x16xf32>
    %add3A_97 = vector.broadcast %add3A : vector<1x16xf32> to vector<256x16xf32>
    %add3A_98 = arith.addf %dot_general3A_96, %add3A_97 : vector<256x16xf32>
    %slice3A_99 = vector.extract_strided_slice %convert_element_type3A_74 {offsets = [1280, 0], sizes = [256, 128], strides = [1, 1]} : vector<4096x128xbf16> to vector<256x128xbf16>
    %dot_general3A_100 = arith.constant dense<0.000000e+00> : vector<256x16xf32>
    %dot_general3A_101 = tpu.matmul %slice3A_99, %convert_element_type3A_65, %dot_general3A_100 {dimension_numbers = #tpu.dot_dimension_numbers<[1], [0], [0], [1], [0, 0, 1, 1], [], []>, transpose_lhs_hint = false} : vector<256x128xbf16>, vector<128x16xbf16>, vector<256x16xf32> -> vector<256x16xf32>
    %add3A_102 = vector.broadcast %add3A : vector<1x16xf32> to vector<256x16xf32>
    %add3A_103 = arith.addf %dot_general3A_101, %add3A_102 : vector<256x16xf32>
    %slice3A_104 = vector.extract_strided_slice %convert_element_type3A_74 {offsets = [1536, 0], sizes = [256, 128], strides = [1, 1]} : vector<4096x128xbf16> to vector<256x128xbf16>
    %dot_general3A_105 = arith.constant dense<0.000000e+00> : vector<256x16xf32>
    %dot_general3A_106 = tpu.matmul %slice3A_104, %convert_element_type3A_65, %dot_general3A_105 {dimension_numbers = #tpu.dot_dimension_numbers<[1], [0], [0], [1], [0, 0, 1, 1], [], []>, transpose_lhs_hint = false} : vector<256x128xbf16>, vector<128x16xbf16>, vector<256x16xf32> -> vector<256x16xf32>
    %add3A_107 = vector.broadcast %add3A : vector<1x16xf32> to vector<256x16xf32>
    %add3A_108 = arith.addf %dot_general3A_106, %add3A_107 : vector<256x16xf32>
    %slice3A_109 = vector.extract_strided_slice %convert_element_type3A_74 {offsets = [1792, 0], sizes = [256, 128], strides = [1, 1]} : vector<4096x128xbf16> to vector<256x128xbf16>
    %dot_general3A_110 = arith.constant dense<0.000000e+00> : vector<256x16xf32>
    %dot_general3A_111 = tpu.matmul %slice3A_109, %convert_element_type3A_65, %dot_general3A_110 {dimension_numbers = #tpu.dot_dimension_numbers<[1], [0], [0], [1], [0, 0, 1, 1], [], []>, transpose_lhs_hint = false} : vector<256x128xbf16>, vector<128x16xbf16>, vector<256x16xf32> -> vector<256x16xf32>
    %add3A_112 = vector.broadcast %add3A : vector<1x16xf32> to vector<256x16xf32>
    %add3A_113 = arith.addf %dot_general3A_111, %add3A_112 : vector<256x16xf32>
    %concatenate3A = tpu.concatenate %add3A_78, %add3A_83, %add3A_88, %add3A_93, %add3A_98, %add3A_103, %add3A_108, %add3A_113 in 1 : vector<256x16xf32>, vector<256x16xf32>, vector<256x16xf32>, vector<256x16xf32>, vector<256x16xf32>, vector<256x16xf32>, vector<256x16xf32>, vector<256x16xf32> -> vector<256x128xf32>
    %slice3A_114 = vector.extract_strided_slice %convert_element_type3A_74 {offsets = [2048, 0], sizes = [256, 128], strides = [1, 1]} : vector<4096x128xbf16> to vector<256x128xbf16>
    %dot_general3A_115 = arith.constant dense<0.000000e+00> : vector<256x16xf32>
    %dot_general3A_116 = tpu.matmul %slice3A_114, %convert_element_type3A_65, %dot_general3A_115 {dimension_numbers = #tpu.dot_dimension_numbers<[1], [0], [0], [1], [0, 0, 1, 1], [], []>, transpose_lhs_hint = false} : vector<256x128xbf16>, vector<128x16xbf16>, vector<256x16xf32> -> vector<256x16xf32>
    %add3A_117 = vector.broadcast %add3A : vector<1x16xf32> to vector<256x16xf32>
    %add3A_118 = arith.addf %dot_general3A_116, %add3A_117 : vector<256x16xf32>
    %slice3A_119 = vector.extract_strided_slice %convert_element_type3A_74 {offsets = [2304, 0], sizes = [256, 128], strides = [1, 1]} : vector<4096x128xbf16> to vector<256x128xbf16>
    %dot_general3A_120 = arith.constant dense<0.000000e+00> : vector<256x16xf32>
    %dot_general3A_121 = tpu.matmul %slice3A_119, %convert_element_type3A_65, %dot_general3A_120 {dimension_numbers = #tpu.dot_dimension_numbers<[1], [0], [0], [1], [0, 0, 1, 1], [], []>, transpose_lhs_hint = false} : vector<256x128xbf16>, vector<128x16xbf16>, vector<256x16xf32> -> vector<256x16xf32>
    %add3A_122 = vector.broadcast %add3A : vector<1x16xf32> to vector<256x16xf32>
    %add3A_123 = arith.addf %dot_general3A_121, %add3A_122 : vector<256x16xf32>
    %slice3A_124 = vector.extract_strided_slice %convert_element_type3A_74 {offsets = [2560, 0], sizes = [256, 128], strides = [1, 1]} : vector<4096x128xbf16> to vector<256x128xbf16>
    %dot_general3A_125 = arith.constant dense<0.000000e+00> : vector<256x16xf32>
    %dot_general3A_126 = tpu.matmul %slice3A_124, %convert_element_type3A_65, %dot_general3A_125 {dimension_numbers = #tpu.dot_dimension_numbers<[1], [0], [0], [1], [0, 0, 1, 1], [], []>, transpose_lhs_hint = false} : vector<256x128xbf16>, vector<128x16xbf16>, vector<256x16xf32> -> vector<256x16xf32>
    %add3A_127 = vector.broadcast %add3A : vector<1x16xf32> to vector<256x16xf32>
    %add3A_128 = arith.addf %dot_general3A_126, %add3A_127 : vector<256x16xf32>
    %slice3A_129 = vector.extract_strided_slice %convert_element_type3A_74 {offsets = [2816, 0], sizes = [256, 128], strides = [1, 1]} : vector<4096x128xbf16> to vector<256x128xbf16>
    %dot_general3A_130 = arith.constant dense<0.000000e+00> : vector<256x16xf32>
    %dot_general3A_131 = tpu.matmul %slice3A_129, %convert_element_type3A_65, %dot_general3A_130 {dimension_numbers = #tpu.dot_dimension_numbers<[1], [0], [0], [1], [0, 0, 1, 1], [], []>, transpose_lhs_hint = false} : vector<256x128xbf16>, vector<128x16xbf16>, vector<256x16xf32> -> vector<256x16xf32>
    %add3A_132 = vector.broadcast %add3A : vector<1x16xf32> to vector<256x16xf32>
    %add3A_133 = arith.addf %dot_general3A_131, %add3A_132 : vector<256x16xf32>
    %slice3A_134 = vector.extract_strided_slice %convert_element_type3A_74 {offsets = [3072, 0], sizes = [256, 128], strides = [1, 1]} : vector<4096x128xbf16> to vector<256x128xbf16>
    %dot_general3A_135 = arith.constant dense<0.000000e+00> : vector<256x16xf32>
    %dot_general3A_136 = tpu.matmul %slice3A_134, %convert_element_type3A_65, %dot_general3A_135 {dimension_numbers = #tpu.dot_dimension_numbers<[1], [0], [0], [1], [0, 0, 1, 1], [], []>, transpose_lhs_hint = false} : vector<256x128xbf16>, vector<128x16xbf16>, vector<256x16xf32> -> vector<256x16xf32>
    %add3A_137 = vector.broadcast %add3A : vector<1x16xf32> to vector<256x16xf32>
    %add3A_138 = arith.addf %dot_general3A_136, %add3A_137 : vector<256x16xf32>
    %slice3A_139 = vector.extract_strided_slice %convert_element_type3A_74 {offsets = [3328, 0], sizes = [256, 128], strides = [1, 1]} : vector<4096x128xbf16> to vector<256x128xbf16>
    %dot_general3A_140 = arith.constant dense<0.000000e+00> : vector<256x16xf32>
    %dot_general3A_141 = tpu.matmul %slice3A_139, %convert_element_type3A_65, %dot_general3A_140 {dimension_numbers = #tpu.dot_dimension_numbers<[1], [0], [0], [1], [0, 0, 1, 1], [], []>, transpose_lhs_hint = false} : vector<256x128xbf16>, vector<128x16xbf16>, vector<256x16xf32> -> vector<256x16xf32>
    %add3A_142 = vector.broadcast %add3A : vector<1x16xf32> to vector<256x16xf32>
    %add3A_143 = arith.addf %dot_general3A_141, %add3A_142 : vector<256x16xf32>
    %slice3A_144 = vector.extract_strided_slice %convert_element_type3A_74 {offsets = [3584, 0], sizes = [256, 128], strides = [1, 1]} : vector<4096x128xbf16> to vector<256x128xbf16>
    %dot_general3A_145 = arith.constant dense<0.000000e+00> : vector<256x16xf32>
    %dot_general3A_146 = tpu.matmul %slice3A_144, %convert_element_type3A_65, %dot_general3A_145 {dimension_numbers = #tpu.dot_dimension_numbers<[1], [0], [0], [1], [0, 0, 1, 1], [], []>, transpose_lhs_hint = false} : vector<256x128xbf16>, vector<128x16xbf16>, vector<256x16xf32> -> vector<256x16xf32>
    %add3A_147 = vector.broadcast %add3A : vector<1x16xf32> to vector<256x16xf32>
    %add3A_148 = arith.addf %dot_general3A_146, %add3A_147 : vector<256x16xf32>
    %slice3A_149 = vector.extract_strided_slice %convert_element_type3A_74 {offsets = [3840, 0], sizes = [256, 128], strides = [1, 1]} : vector<4096x128xbf16> to vector<256x128xbf16>
    %dot_general3A_150 = arith.constant dense<0.000000e+00> : vector<256x16xf32>
    %dot_general3A_151 = tpu.matmul %slice3A_149, %convert_element_type3A_65, %dot_general3A_150 {dimension_numbers = #tpu.dot_dimension_numbers<[1], [0], [0], [1], [0, 0, 1, 1], [], []>, transpose_lhs_hint = false} : vector<256x128xbf16>, vector<128x16xbf16>, vector<256x16xf32> -> vector<256x16xf32>
    %add3A_152 = vector.broadcast %add3A : vector<1x16xf32> to vector<256x16xf32>
    %add3A_153 = arith.addf %dot_general3A_151, %add3A_152 : vector<256x16xf32>
    %concatenate3A_154 = tpu.concatenate %add3A_118, %add3A_123, %add3A_128, %add3A_133, %add3A_138, %add3A_143, %add3A_148, %add3A_153 in 1 : vector<256x16xf32>, vector<256x16xf32>, vector<256x16xf32>, vector<256x16xf32>, vector<256x16xf32>, vector<256x16xf32>, vector<256x16xf32>, vector<256x16xf32> -> vector<256x128xf32>
    %concatenate3A_155 = tpu.concatenate %concatenate3A, %concatenate3A_154 in 0 : vector<256x128xf32>, vector<256x128xf32> -> vector<512x128xf32>
    %swap3A = arith.constant 0 : index
    %swap3A_156 = arith.constant 0 : index
    %swap3A_157 = vector.load %arg4[%swap3A, %swap3A_156] : memref<512x128xf32, #tpu.memory_space<vmem>>, vector<512x128xf32>
    tpu.vector_store %arg4[%swap3A, %swap3A_156], %concatenate3A_155 {strides = array<i32>} : memref<512x128xf32, #tpu.memory_space<vmem>>, vector<512x128xf32>,
    return
  }
  func.func @transform_0(%arg0: i32) -> (i32, i32) {
    %c0_i32 = arith.constant 0 : i32
    %c0_i32_0 = arith.constant 0 : i32
    return %arg0, %c0_i32 : i32, i32
  }
  func.func @transform_1(%arg0: i32) -> (i32, i32) {
    %c0_i32 = arith.constant 0 : i32
    %c0_i32_0 = arith.constant 0 : i32
    %c0_i32_1 = arith.constant 0 : i32
    return %c0_i32, %c0_i32_0 : i32, i32
  }
  func.func @transform_2(%arg0: i32) -> (i32, i32) {
    %c0_i32 = arith.constant 0 : i32
    %c0_i32_0 = arith.constant 0 : i32
    %c0_i32_1 = arith.constant 0 : i32
    return %c0_i32, %c0_i32_0 : i32, i32
  }
  func.func @transform_3(%arg0: i32) -> (i32, i32) {
    %c0_i32 = arith.constant 0 : i32
    %c0_i32_0 = arith.constant 0 : i32
    return %arg0, %c0_i32 : i32, i32
  }
}

</mosaic_0001>

<sc_bundles>
// kernel: kernel.5.cloned.1.call-start
scs
__scs_entry_jumppad:
0x0: {  	(pc) =	sbr.rel $0x88, $3  }
0x1: {  	(tag) =	ssettag $0x0;
	lr =	simm.s32 $0x1  }
0x2: {  	[smem:$0x3F9B] =	sst lr;
	_ =	strace $0xD0000000  }
0x3: {  	_ = 	snop  }
0x4: {  	_ = 	snop  }
0x5: {  	_ = 	snop  }
0x6: {  	_ = 	snop  }
0x7: {  	_ = 	snop  }
__scs_overlays_trampoline_lowered:
0x8: {  	[smem:$0x3FAA] =	sst s0  }
0x9: {  	[smem:$0x3FAB] =	sst s1  }
0xa: {  	[smem:$0x3FAC] =	sst s2  }
0xb: {  	[smem:$0x3FAD] =	sst s3  }
0xc: {  	[smem:$0x3FAE] =	sst s4  }
0xd: {  	[smem:$0x3FAF] =	sst s5  }
0xe: {  	[smem:$0x3FB0] =	sst s6  }
0xf: {  	[smem:$0x3FB1] =	sst s7  }
0x10: {  	[smem:$0x3FB2] =	sst s8  }
0x11: {  	[smem:$0x3FB3] =	sst s9;
	s0 =	simm.s32 @!p0 $0x0  }
0x12: {  	s1 =	sld [smem:$0x3F99];
	s0 =	simm.s32 @p0 $0x1  }
0x13: {  	[smem:$0x3FB4] =	sst s0;
	s0 =	simm.s32 @!p1 $0x0  }
0x14: {  	s2 =	sld [smem:$0x3F98];
	s0 =	simm.s32 @p1 $0x1  }
0x15: {  	[smem:$0x3FB5] =	sst s0;
	s0 =	simm.s32 @!p2 $0x0  }
0x16: {  	s3 =	sld [smem:$0x3FDB];
	s0 =	simm.s32 @p2 $0x1  }
0x17: {  	s4 =	simm.s32 $0x1BF5;
	[smem:$0x3FB7] =	sst s0  }
0x18: {  	s0 =	sld [smem:$0x3F9A];
	_ =	swait.ge [sflag:s4], $0x0  }
0x19: {  	s7 =	sld [smem:$0x3F9B]  }
0x1a: {  	s8 =	sadd.s32 $0xFFFFE003, lr  }
0x1b: {  	s9 =	sadd.s32 $0xFFFFFEF7, lr;
	s5 =	simm.s32 $0xFFFFFFFF;
	p2 =	slt.u32 s8, $0xFFFFF086  }
0x1c: {  	p1 =	slt.u32 s9, $0xF7A;
	s5 =	simm.s32 @!p2 $0x0  }
0x1d: {  	s5 =	simm.s32 @p1 $0x1;
	p0 =	seq.s32 s7, s2  }
0x1e: {  	s7 =	smul.u32 @!p0 $0xF7A, s2;
	p2 =	seq.s32 @!p0 s5, $0x0  }
0x1f: {  	s9 =	smul.u32 $0xF7A, s1;
	s8 =	simm.s32 @!p0 $0x1BF5;
	p2 =	por !p2, p0  }
0x20: {  	[sflag:s8] =	ssyncset.s32 @!p0 $0xFFFFF086;
	s6 =	sadd.s32 @!p0 s3, s7;
	s7 =	simm.s32 @!p0 $0x108  }
0x21: {  	s3 =	sadd.s32 s3, s9;
	s6 =	sadd.s32 @!p0 $0x88, s6;
	s7 =	simm.s32 @p2 $0x1082  }
0x22: {  	[simem:s7], [sflag:s8] =	dma.local @!p0 [hbm:s6], $0xF7A  }
0x23: {  	s9 =	sor.u32 $0xD0000000, s2;
	s6 =	simm.s32 $0x108;
	_ =	swait.ge @!p0 [sflag:s8], $0x0  }
0x24: {  	s3 =	sadd.s32 $0x88, s3;
	s6 =	simm.s32 @!p1 $0x1082;
	[sflag:s4] =	ssyncset.s32 $0xFFFFF086  }
0x25: {  	[simem:s6], [sflag:s4] =	dma.local [hbm:s3], $0xF7A  }
0x26: {  	[smem:$0x3F9B] =	sst s1;
	(tag) =	ssettag s2;
	_ =	strace s9  }
0x27: {  	s1 =	sld [smem:$0x3FAB]  }
0x28: {  	s2 =	sld [smem:$0x3FAC]  }
0x29: {  	s4 =	sld [smem:$0x3FAE]  }
0x2a: {  	p0 =	seq.s32 s5, $0x0;
	s5 =	sld [smem:$0x3FAF]  }
0x2b: {  	s6 =	sld [smem:$0x3FB0]  }
0x2c: {  	s7 =	sld [smem:$0x3FB1]  }
0x2d: {  	s3 =	simm.s32 $0x108;
	s8 =	sld [smem:$0x3FB2]  }
0x2e: {  	s3 =	simm.s32 @!p0 $0x1082;
	s9 =	sld [smem:$0x3FB3]  }
0x2f: {  	lr =	sadd.s32 s0, s3;
	s0 =	sld [smem:$0x3FAA]  }
0x30: {  	s3 =	sld [smem:$0x3FAD]  }
0x31: {  	[smem:$0x3FB6] =	sst s10  }
0x32: {  	s10 =	sld [smem:$0x3FB4];
	_ =	sdelay $0x3  }
0x33: {  	p0 =	seq.s32 s10, $0x1;
	s10 =	sld [smem:$0x3FB6];
	_ =	sdelay $0x3  }
0x34: {  	[smem:$0x3FB6] =	sst s10  }
0x35: {  	s10 =	sld [smem:$0x3FB5];
	_ =	sdelay $0x3  }
0x36: {  	p1 =	seq.s32 s10, $0x1;
	s10 =	sld [smem:$0x3FB6];
	_ =	sdelay $0x3  }
0x37: {  	[smem:$0x3FB6] =	sst s10  }
0x38: {  	s10 =	sld [smem:$0x3FB7]  }
0x39: {  	_ = 	snop;
	(pc) =	sbr.ind lr, $3  }
0x3a: {  	_ = 	snop  }
0x3b: {  	_ = 	snop  }
0x3c: {  	p2 =	seq.s32 s10, $0x1;
	s10 =	sld [smem:$0x3FB6]  }
0x3d: {  	_ =	shalt  }
0x3e: {  	_ =	shalt  }
0x3f: {  	_ =	shalt  }
0x40: {  	_ =	shalt  }
0x41: {  	_ =	shalt  }
0x42: {  	_ =	shalt  }
0x43: {  	_ =	shalt  }
0x44: {  	_ =	shalt  }
0x45: {  	_ =	shalt  }
0x46: {  	_ =	shalt  }
0x47: {  	_ =	shalt  }
0x48: {  	_ =	shalt  }
0x49: {  	_ =	shalt  }
0x4a: {  	_ =	shalt  }
0x4b: {  	_ =	shalt  }
0x4c: {  	_ =	shalt  }
0x4d: {  	_ =	shalt  }
0x4e: {  	_ =	shalt  }
0x4f: {  	_ =	shalt  }
0x50: {  	_ =	shalt  }
0x51: {  	_ =	shalt  }
0x52: {  	_ =	shalt  }
0x53: {  	_ =	shalt  }
0x54: {  	_ =	shalt  }
0x55: {  	_ =	shalt  }
0x56: {  	_ =	shalt  }
0x57: {  	_ =	shalt  }
0x58: {  	_ =	shalt  }
0x59: {  	_ =	shalt  }
0x5a: {  	_ =	shalt  }
0x5b: {  	_ =	shalt  }
0x5c: {  	_ =	shalt  }
0x5d: {  	_ =	shalt  }
0x5e: {  	_ =	shalt  }
0x5f: {  	_ =	shalt  }
0x60: {  	_ =	shalt  }
0x61: {  	_ =	shalt  }
0x62: {  	_ =	shalt  }
0x63: {  	_ =	shalt  }
0x64: {  	_ =	shalt  }
0x65: {  	_ =	shalt  }
0x66: {  	_ =	shalt  }
0x67: {  	_ =	shalt  }
0x68: {  	_ =	shalt  }
0x69: {  	_ =	shalt  }
0x6a: {  	_ =	shalt  }
0x6b: {  	_ =	shalt  }
0x6c: {  	_ =	shalt  }
0x6d: {  	_ =	shalt  }
0x6e: {  	_ =	shalt  }
0x6f: {  	_ =	shalt  }
0x70: {  	_ =	shalt  }
0x71: {  	_ =	shalt  }
0x72: {  	_ =	shalt  }
0x73: {  	_ =	shalt  }
0x74: {  	_ =	shalt  }
0x75: {  	_ =	shalt  }
0x76: {  	_ =	shalt  }
0x77: {  	_ =	shalt  }
0x78: {  	_ =	shalt  }
0x79: {  	_ =	shalt  }
0x7a: {  	_ =	shalt  }
0x7b: {  	_ =	shalt  }
0x7c: {  	_ =	shalt  }
0x7d: {  	_ =	shalt  }
0x7e: {  	_ =	shalt  }
0x7f: {  	_ =	shalt  }
0x80: {  	_ =	shalt  }
0x81: {  	_ =	shalt  }
0x82: {  	_ =	shalt  }
0x83: {  	_ =	shalt  }
0x84: {  	_ =	shalt  }
0x85: {  	_ =	shalt  }
0x86: {  	_ =	shalt  }
0x87: {  	_ =	shalt  }
.Lfunc_end0:
.L_simem_size_0:
called_computation_lowered:
.L_overlay_start_0:
0x88: {  	s2 =	sld [smem:$0x3FD9]  }
0x89: {  	s3 =	sld [smem:$0x3FFE];
	_ =	sdelay $0x1  }
0x8a: {  	s1 =	srdreg.scid  }
0x8b: {  	s0 =	sand.u32 $0x1, s1  }
0x8c: {  	s17 =	sshll.u32 s0, $0xA;
	s2 =	sadd.s32 s3, s2  }
0x8d: {  	s2 =	sadd.s32 s2, s17  }
0x8e: {  	[smem:$0x3FC2] =	sst s2  }
0x8f: {  	_ = 	snop  }
0x90: {  	s2 =	sld [smem:$0x3FC8]  }
0x91: {  	s18 =	sld [smem:$0x3FD0];
	(tm) =	ssettm $0x1  }
0x92: {  	s4 =	sld [smem:$0x3FFB];
	_ =	sdelay $0x3  }
0x93: {  	_ =	strace s4  }
0x94: {  	s4 =	sld [smem:$0x3FFC];
	_ =	sdelay $0x3  }
0x95: {  	_ =	strace s4  }
0x96: {  	s4 =	sld [smem:$0x3FFD];
	_ =	sdelay $0x3  }
0x97: {  	_ =	strace s4  }
0x98: {  	_ =	strace $0x8FFFFFFF  }
0x99: {  	s19 =	sld [smem:$0x3FDB];
	_ =	sdelay $0x1  }
0x9a: {  	s5 =	simm.s32 $_scs_section_size  }
0x9b: {  	s6 =	simm.s32 $_size__tile_overlayer_lowered;
	s7 =	simm.s32 $_tile_overlayer_lowered  }
0x9c: {  	s22 =	simm.s32 $0x1BFF;
	s21 =	sshll.u32 s7, $0x1;
	s4 =	sadd.s32 s5, s19  }
0x9d: {  	s8 =	simm.s32 $0x0;
	s20 =	sshll.u32 s6, $0x1;
	s6 =	sadd.s32 s21, s4  }
0x9e: {  	[timem:s8], [sflag:s22] =	dma.local [hbm:s6], s20  }
0x9f: {  	_ =	swait.ge [sflag:s22], s20  }
0xa0: {  	s5 =	ssub.s32 $0x0, s20;
	[sflag:s22] =	ssyncset.done $0x0  }
0xa1: {  	[sflag:s22] =	ssyncadd.s32 s5;
	_ =	sdelay $0x1  }
0xa2: {  	s23 =	simm.s32 $0x1B8B  }
0xa3: {  	_ =	swait.ge [sflag:s23], $0x1  }
0xa4: {  	[sflag:s23] =	ssyncset.done $0x0  }
0xa5: {  	s25 =	simm.s32 $0x1B8E;
	s24 =	sld [smem:$0x3FFE];
	[sflag:s23] =	ssyncadd.s32 $0xFFFFFFFF  }
0xa6: {  	s26 =	simm.s32 $execute0_lowered;
	[smem:$0x3FD2] =	sst s25  }
0xa7: {  	s6 =	sshll.u32 s26, $0x1;
	_ =	strace $0x80000046;
	[dreg:$0x1] =	wrdreg $0xFFFFFFFF  }
0xa8: {  	s28 =	simm.s32 $_size_execute0_lowered;
	s4 =	sadd.s32 s4, s6;
	[dreg:$0x0] =	wrdreg $0x0  }
0xa9: {  	s6 =	sshll.u32 s28, $0x1;
	[dreg:$0x2] =	wrdreg s4  }
0xaa: {  	[dreg:$0x3] =	wrdreg s6  }
0xab: {  	[dreg:$0x4] =	wrdreg $0xC0  }
0xac: {  	_ =	task [dreg:s8], $0x5FFFF  }
0xad: {  	[dreg:$0x1] =	wrdreg $0xFFFFFFFF  }
0xae: {  	[dreg:$0x0] =	wrdreg $0x60  }
0xaf: {  	[dreg:$0x2] =	wrdreg s18  }
0xb0: {  	[dreg:$0x3] =	wrdreg s2  }
0xb1: {  	[dreg:$0x4] =	wrdreg s24  }
0xb2: {  	[dreg:$0x5] =	wrdreg $0x9  }
0xb3: {  	_ =	task.clear_ibuf [dreg:s8], $0x6FFFF;
	_ =	strace $0x90000046  }
0xb4: {  	s29 =	simm.s32 $0x9;
	_ =	strace $0x80000048  }
0xb5: {  	_ =	swait.ge [sflag:s29], $0x1  }
0xb6: {  	[sflag:s29] =	ssyncadd.s32 $0xFFFFFFFF  }
0xb7: {  	_ =	strace $0x90000048  }
0xb8: {  	_ =	sfence  }
0xb9: {  	s30 =	sld [smem:$0x0];
	_ =	sdelay $0x2  }
0xba: {  	s31 =	sshll.u32 s1, $0xD;
	s1 =	sshrl.u32 s1, $0x2  }
0xbb: {  	s3 =	sand.u32 $0x4000, s31;
	s1 =	sadd.s32 s1, s30  }
0xbc: {  	s0 =	sor.u32 s3, s0;
	s1 =	sshll.u32 s1, $0x11  }
0xbd: {  	s0 =	sor.u32 s1, s0  }
0xbe: {  	s0 =	sadd.s32 $0x8F2B, s0  }
0xbf: {  	[sflag:s0] =	ssyncadd.remote.s32 $0x1  }
0xc0: {  	_ =	sfence.sel $0xFFFF  }
0xc1: {  	[dreg:$0x0] =	wrdreg $0xFFFFFFFF;
	(pc) =	sbr.abs _section_cstart, $3  }
0xc2: {  	[dreg:$0x1] =	wrdreg $0xFFFFFFFF  }
0xc3: {  	_ =	task.clear_ibuf [dreg:s8], $0x2FFFF;
	_ =	strace $0x9FFFFFFF  }
0xc4: {  	(tm) =	ssettm $0x7FFFFFFF  }
0xc5: {  	_ =	shalt  }
tec
execute0_lowered:
.L_overlay_start_1:
0x0: {  	(tag) =	ssettag $0x1  }
0x1: {  	s2 =	rddreg [dreg:$0x0]  }
0x2: {  	s4 =	rddreg [dreg:$0x1]  }
0x3: {  	s5 =	rddreg [dreg:$0x2]  }
0x4: {  	s0 =	rddreg [dreg:$0x3]  }
0x5: {  	s1 =	stileid.u32;
	s6 =	srdreg.scid  }
0x6: {  	s3 =	simm.s32 $0x0;
	s10 =	simm.s32 $0x80;
	s11 =	simm.s32 $0x0  }
0x7: {  	s6 =	sand.u32 $0x1, s6;
	s7 =	sshll.u32 s1, $0x1;
	[smem:$0x7FF] =	sst s3  }
0x8: {  	s8 =	sshll.u32 s1, $0xB;
	s7 =	sor.u32 s6, s7;
	_ =	strace $0x80000047  }
0x9: {  	s8 =	sand.u32 $0x7000, s8;
	s6 =	ssub.s32 $0x2, s6;
	s9 =	sshll.u32 s7, $0x2  }
0xa: {  	s5 =	sadd.s32 s8, s5;
	s31 =	sshrl.u32 s6, $0x1;
	s7 =	sshll.u32 s7, $0x6  }
0xb: {  	s8 =	simm.s32 $0x2200;
	s30 =	sand.u32 $0xC, s9;
	s6 =	ssub.s32 s6, s31  }
0xc: {  	v0 =	vlaneseq.u32;
	s4 =	sadd.s32 s4, s7;
	s7 =	simm.s32 $0x1;
	s5 =	sadd.s32 s30, s5  }
0xd: {  	v0 =	vmul.u32 $0x20, v0;
	s9 =	simm.s32 $0x20;
	s6 =	smax.u32 s6, $0x1;
	s5 =	sadd.s32 $0xA00, s5  }
.LBB2_1:
0xe: {  	[tilespmem:s3], [sflag:$0x1] =	stream.linear.gather [hbm4b:s2+s3], $0x2000, $0x38;
	[tilespmem:$0x4200] =	vst v63  }
0xf: {  	_ =	swait.ge [sflag:s7], $0x2000  }
0x10: {  	[sflag:s7] =	ssyncset.done $0x0  }
0x11: {  	s12 =	simm.s32 $0x2000;
	[sflag:s7] =	ssyncadd.s32 $0xFFFFE000  }
0x12: {  	[tilespmem:s12], [sflag:$0x1] =	stream.linear.gather [hbm4b:s4+s3], $0x200, $0x38;
	[tilespmem:$0x4200] =	vst v63  }
0x13: {  	_ =	swait.ge [sflag:s7], $0x200  }
0x14: {  	[sflag:s7] =	ssyncset.done $0x0  }
0x15: {  	[sflag:s7] =	ssyncadd.s32 $0xFFFFFE00  }
0x16: {  	v1 =	vld [tilespmem:s12+$0x0];
	_ =	sdelay $0x4  }
0x17: {  	v1 =	vshll.u32 v1, $0x7  }
0x18: {  	s13 =	sand.u32 $0xF0, s3  }
0x19: {  	v2 =	vmov s13  }
0x1a: {  	v2 =	vshll.u32 v2, $0x5  }
0x1b: {  	s31 =	sand.u32 $0x10, s3;
	v2 =	vor.u32 v0, v2  }
0x1c: {  	v2 =	vor.u32 s31, v2;
	v3 =	vld.idx.msk [tilespmem:v1+s3+$0x0], $0xffff  }
0x1d: {  	v4 =	vor.u32 $0x1, v1;
	_ =	sdelay $0x3  }
0x1e: {  	[tilespmem:v2+s8+$0x0] =	vst.idx.msk $0xffff, v3  }
0x1f: {  	v58 =	vor.u32 $0x1, v2;
	v3 =	vld.idx.msk [tilespmem:v4+s3+$0x0], $0xffff  }
0x20: {  	v5 =	vor.u32 $0x2, v1;
	_ =	sdelay $0x3  }
0x21: {  	[tilespmem:v58+s8+$0x0] =	vst.idx.msk $0xffff, v3  }
0x22: {  	v59 =	vor.u32 $0x2, v2;
	v3 =	vld.idx.msk [tilespmem:v5+s3+$0x0], $0xffff  }
0x23: {  	v60 =	vor.u32 $0x3, v1;
	_ =	sdelay $0x3  }
0x24: {  	[tilespmem:v59+s8+$0x0] =	vst.idx.msk $0xffff, v3  }
0x25: {  	v61 =	vor.u32 $0x3, v2;
	v3 =	vld.idx.msk [tilespmem:v60+s3+$0x0], $0xffff  }
0x26: {  	v62 =	vor.u32 $0x4, v1;
	_ =	sdelay $0x3  }
0x27: {  	[tilespmem:v61+s8+$0x0] =	vst.idx.msk $0xffff, v3  }
0x28: {  	v63 =	vor.u32 $0x4, v2;
	v3 =	vld.idx.msk [tilespmem:v62+s3+$0x0], $0xffff  }
0x29: {  	v1 =	vor.u32 $0x5, v1;
	_ =	sdelay $0x3  }
0x2a: {  	[tilespmem:v63+s8+$0x0] =	vst.idx.msk $0xffff, v3  }
0x2b: {  	s14 =	simm.s32 $0x0;
	s13 =	simm.s32 $0x1;
	v2 =	vor.u32 $0x5, v2;
	v1 =	vld.idx.msk [tilespmem:v1+s3+$0x0], $0xffff  }
.LBB2_2:
0x2c: {  	_ =	sdelay $0x3  }
0x2d: {  	p0 =	sne.s32 s13, $0x1F;
	s12 =	sadd.s32 $0x10, s12;
	s14 =	sadd.s32 $0x10, s14;
	[tilespmem:v2+s8+$0x0] =	vst.idx.msk $0xffff, v1  }
0x2e: {  	s15 =	smov.u32 s13;
	s13 =	sadd.s32 $0x1, s13;
	v1 =	vld [tilespmem:s12+$0x0];
	_ =	sdelay $0x4  }
0x2f: {  	v1 =	vshll.u32 v1, $0x7;
	_ =	sdelay $0x1  }
0x30: {  	s16 =	sand.u32 $0xF0, s14  }
0x31: {  	v2 =	vmov s16  }
0x32: {  	v2 =	vshll.u32 v2, $0x5  }
0x33: {  	s15 =	sand.u32 $0x10, s15;
	v2 =	vor.u32 v0, v2;
	v3 =	vld.idx.msk [tilespmem:v1+s3+$0x0], $0xffff  }
0x34: {  	v2 =	vor.u32 s15, v2  }
0x35: {  	v4 =	vor.u32 $0x1, v1;
	_ =	sdelay $0x3  }
0x36: {  	[tilespmem:v2+s8+$0x0] =	vst.idx.msk $0xffff, v3  }
0x37: {  	v3 =	vld.idx.msk [tilespmem:v4+s3+$0x0], $0xffff  }
0x38: {  	v4 =	vor.u32 $0x1, v2  }
0x39: {  	v5 =	vor.u32 $0x2, v1;
	_ =	sdelay $0x3  }
0x3a: {  	[tilespmem:v4+s8+$0x0] =	vst.idx.msk $0xffff, v3  }
0x3b: {  	v3 =	vld.idx.msk [tilespmem:v5+s3+$0x0], $0xffff  }
0x3c: {  	v4 =	vor.u32 $0x2, v2  }
0x3d: {  	v5 =	vor.u32 $0x3, v1;
	_ =	sdelay $0x3  }
0x3e: {  	[tilespmem:v4+s8+$0x0] =	vst.idx.msk $0xffff, v3  }
0x3f: {  	v3 =	vld.idx.msk [tilespmem:v5+s3+$0x0], $0xffff  }
0x40: {  	v4 =	vor.u32 $0x3, v2  }
0x41: {  	v5 =	vor.u32 $0x4, v1;
	_ =	sdelay $0x3  }
0x42: {  	[tilespmem:v4+s8+$0x0] =	vst.idx.msk $0xffff, v3  }
0x43: {  	v3 =	vld.idx.msk [tilespmem:v5+s3+$0x0], $0xffff  }
0x44: {  	v4 =	vor.u32 $0x4, v2  }
0x45: {  	v1 =	vor.u32 $0x5, v1;
	_ =	sdelay $0x1  }
.Ltmp0:
0x46: {  	(pc) =	sbr.rel @p0 .LBB2_2-.Ltmp0, $4  }
0x47: {  	_ = 	snop  }
0x48: {  	[tilespmem:v4+s8+$0x0] =	vst.idx.msk $0xffff, v3  }
0x49: {  	v1 =	vld.idx.msk [tilespmem:v1+s3+$0x0], $0xffff  }
0x4a: {  	v2 =	vor.u32 $0x5, v2  }
0x4b: {  	_ =	sdelay $0x1  }
0x4c: {  	s11 =	sadd.s32 $0x1, s11  }
0x4d: {  	p0 =	sne.s32 s11, s6  }
.Ltmp1:
0x4e: {  	[tilespmem:v2+s8+$0x0] =	vst.idx.msk $0xffff, v1;
	(pc) =	sbr.rel @p0 .LBB2_1-.Ltmp1, $4  }
0x4f: {  	[hbm4b:s5+s9] =	stream.strided.scatter [tilespmem:s8], [sflag:$0x1], $0x2000, s10, s9, $0x38;
	[tilespmem:$0x4200] =	vst v63  }
0x50: {  	_ =	swait.ge [sflag:s7], $0x2000  }
0x51: {  	[sflag:s7] =	ssyncset.done $0x0  }
0x52: {  	[sflag:s7] =	ssyncadd.s32 $0xFFFFE000  }
0x53: {  	_ =	sfence.sel $0x180000  }
0x54: {  	[bflag:$0x0] =	sbarrier.arrive $0xFFFF  }
0x55: {  	p0 =	sne.s32 s1, $0x0;
	_ =	strace $0x90000047  }
0x56: {  	s0 =	sadd.s32 @!p0 $0x100000, s0;
	[bflag:$0x2] =	sbarrier.arrive $0xFFFF  }
0x57: {  	[sflag:s0] =	ssyncadd.tile.s32 @!p0 $0x1;
	_ =	shalt  }
.Lfunc_end2:
_tile_overlayer_lowered:
.L_overlay_start_2:
0x58: {  	(tag) =	ssettag $0x2  }
0x59: {  	s0 =	rddreg [dreg:$0x0];
	s2 =	stileid.u32  }
0x5a: {  	s1 =	rddreg [dreg:$0x1];
	p0 =	sne.s32 s2, $0x0  }
0x5b: {  	s3 =	rddreg [dreg:$0x2];
	[bflag:$0x3] =	sbarrier.arrive $0xFFFF;
	s2 =	simm.s32 @!p0 $0x1C01  }
0x5c: {  	[timem:s3], [sflag:s2] =	dma.local @!p0 [hbm:s0], s1  }
0x5d: {  	s0 =	simm.s32 @!p0 $0x1  }
0x5e: {  	_ =	swait.ge @!p0 [sflag:s0], s1  }
0x5f: {  	s1 =	ssub.s32 @!p0 $0x0, s1;
	[sflag:s0] =	ssyncset.done @!p0 $0x0  }
0x60: {  	[sflag:s0] =	ssyncadd.s32 @!p0 s1  }
0x61: {  	[bflag:$0x3] =	sbarrier.arrive $0xFFFF  }
0x62: {  	_ =	shalt  }

</sc_bundles>
